<compile_context>
chip_gen: v7x
topology: tpu7x:2x2x1
jax: 0.10.2.dev20260603
libtpu: 0.0.44.dev20260713+nightly
codegen_flags: <defaults>
</compile_context>

<pallas_src>
import functools

import jax
import jax.numpy as jnp
from jax import lax
from jax.experimental import pallas as pl
from jax.experimental.pallas import tpu as pltpu
from jax.experimental.pallas import tpu_sc as plsc


def _body(nblk):
    def body(dist_ref, g_ref, lpw_ref, y_ref,
             fp_ref, fd_ref, lq_ref, loss_ref, sum_acc):
        pid = pl.program_id(0)
        T, B = sum_acc.shape

        @pl.when(pid == 0)
        def _():
            sum_acc[...] = jnp.zeros_like(sum_acc)

        sum_acc[...] += dist_ref[...].sum(1)

        @pl.when(pid == nblk - 1)
        def _():
            g = g_ref[...].reshape(T, B, B)
            lane = lax.broadcasted_iota(jnp.int32, g.shape, 2)
            bidx = lax.broadcasted_iota(jnp.int32, g.shape, 1)
            vals = jnp.where(lane == bidx, g, 0.0).sum(-1)
            probs = vals / sum_acc[...]
            fp_ref[...] = probs.T
            fd_ref[...] = probs[T - 1:T, :]
            lq = jnp.log(probs).sum(0, keepdims=True)
            lq_ref[...] = lq
            lp = (1.0 - y_ref[...]) * jnp.log(jnp.float32(1e-8)) + lpw_ref[...]
            d = lq - lp
            loss_ref[...] = jnp.mean(d * d).reshape(1, 1)

    return body


def _sc_gather(flat2d, rows):
    TB, B = rows.shape[0], flat2d.shape[1]
    n_workers = 32
    per_w = TB // n_workers
    mesh = plsc.VectorSubcoreMesh(core_axis_name="c", subcore_axis_name="s")

    @functools.partial(
        pl.kernel, mesh=mesh,
        out_type=jax.ShapeDtypeStruct((TB, B), jnp.float32),
        scratch_types=[
            pltpu.VMEM((per_w,), jnp.int32),
            pltpu.VMEM((per_w, B), jnp.float32),
            pltpu.SemaphoreType.DMA,
        ],
    )
    def gk(x_hbm, idx_hbm, out_hbm, idx_v, rows_v, sem):
        wid = lax.axis_index("s") * 2 + lax.axis_index("c")
        base = wid * per_w
        pltpu.sync_copy(idx_hbm.at[pl.ds(base, per_w)], idx_v)
        pltpu.async_copy(x_hbm.at[idx_v], rows_v, sem).wait()
        pltpu.sync_copy(rows_v, out_hbm.at[pl.ds(base, per_w)])

    return gk(flat2d, rows)


def kernel(distributions, actions, log_p_world, y):
    T, B, V = distributions.shape
    C = 5000
    nblk = V // C
    f32 = jnp.float32

    dvb = jnp.transpose(distributions, (0, 2, 1))
    flat2d = dvb.reshape(T * V, B)

    rows = (actions.astype(jnp.int32)
            + (jnp.arange(T, dtype=jnp.int32) * V)[:, None]).reshape(T * B)
    g = _sc_gather(flat2d, rows)

    fp, fd, lq, loss = pl.pallas_call(
        _body(nblk),
        grid=(nblk,),
        in_specs=[
            pl.BlockSpec((T, C, B), lambda i: (0, i, 0)),
            pl.BlockSpec((T * B, B), lambda i: (0, 0)),
            pl.BlockSpec((1, B), lambda i: (0, 0)),
            pl.BlockSpec((1, B), lambda i: (0, 0)),
        ],
        out_specs=[
            pl.BlockSpec((B, T), lambda i: (0, 0)),
            pl.BlockSpec((1, B), lambda i: (0, 0)),
            pl.BlockSpec((1, B), lambda i: (0, 0)),
            pl.BlockSpec((1, 1), lambda i: (0, 0)),
        ],
        out_shape=[
            jax.ShapeDtypeStruct((B, T), f32),
            jax.ShapeDtypeStruct((1, B), f32),
            jax.ShapeDtypeStruct((1, B), f32),
            jax.ShapeDtypeStruct((1, 1), f32),
        ],
        scratch_shapes=[pltpu.VMEM((T, B), f32)],
        compiler_params=pltpu.CompilerParams(
            dimension_semantics=("arbitrary",),
        ),
    )(dvb, g, log_p_world.reshape(1, B), y.reshape(1, B))

    return fp, fd.reshape(B), lq.reshape(B), loss[0, 0]

# --- scband reference (transcript-rebuilt; emitter-appended) ---
"""Pipeline reference for scband-gflow-net-base-50946902065854 (READ-ONLY COPY).

The authoritative reference and input builder live on the scoring server;
editing this copy changes nothing except your own understanding.
"""

import jax, jax.numpy as jnp
import numpy as np

T, B, V = 4, 128, 100000

def setup_inputs(seed: int = 0) -> dict:
    key = jax.random.key(seed)
    k1, k2, k3, k4 = jax.random.split(key, 4)
    distributions = jax.random.uniform(k1, (T, B, V), dtype=jnp.float32) + 1e-6
    actions = jax.random.randint(k2, (T, B), 0, V)
    log_p_world = jax.random.normal(k3, (B,), dtype=jnp.float32)
    y = (jax.random.uniform(k4, (B,)) > 0.5).astype(jnp.float32)
    return {"distributions": distributions, "actions": actions, "log_p_world": log_p_world, "y": y}

def reference(distributions, actions, log_p_world, y):
    # Faithful unrolled GFlowNet forward: per-step normalized categorical
    # distribution over actions (vocab V), gather the probability of the
    # sampled action (actions are the pre-sampled categorical draws, which
    # are constants w.r.t. the flow), accumulate forward probabilities.
    dist = distributions / distributions.sum(-1, keepdims=True)  # flow_pp-style renorm
    # s_dist = distribution.gather(-1, action) per step, vectorized over T
    probs = jnp.take_along_axis(dist, actions[..., None], axis=-1).squeeze(-1)  # [T, B]
    forward_probabilities = jnp.transpose(probs, (1, 0))  # stacked at dim -1 like torch.stack(..., -1) -> [B, T]
    # loss() with lossf='mse-tb'
    log_q = jnp.log(probs).sum(0)  # [B]
    log_p = (1.0 - y) * jnp.log(jnp.asarray(1e-8, dtype=jnp.float32)) + jax.lax.stop_gradient(log_p_world)
    loss = jnp.mean((log_q - log_p) ** 2)
    final_distribution = probs[-1]  # s_dist of the last step
    return (forward_probabilities, final_distribution, log_q, loss)

if False:  # reference __main__ guard neutralized (emitter)
    out = reference(**setup_inputs())
    for o in out:
        print(o.shape, o.dtype)

if __name__ == "__main__":
    import jax
    _d = setup_inputs()
    print(jax.jit(kernel)(*tuple(_d.values())))

</pallas_src>

<mosaic_0001>
#map = affine_map<(d0, d1) -> (0, 0)>
#map1 = affine_map<(d0, d1) -> (0)>
module attributes {stable_mosaic.version = 14 : i64} {
  func.func @gk(%arg0: i32, %arg1: i32, %arg2: memref<400000x128xf32, #tpu.memory_space<hbm>>, %arg3: memref<512xi32, #tpu.memory_space<hbm>>, %arg4: memref<512x128xf32, #tpu.memory_space<hbm>>, %arg5: memref<16xi32, #tpu.memory_space<vmem>>, %arg6: memref<16x128xf32, #tpu.memory_space<vmem>>, %arg7: memref<!tpu.dma_semaphore, #tpu.memory_space<semaphore_mem>>) attributes {dimension_semantics = [#tpu.dimension_semantics<core_parallel>, #tpu.dimension_semantics<subcore_parallel>], iteration_bounds = array<i64: 2, 16>, scalar_prefetch = 0 : i64, scratch_operands = 3 : i64, tpu.core_type = #tpu.core_type<sc_vector_subcore>, window_params = [{transform_indices = #map}, {transform_indices = #map1}, {transform_indices = #map}]} {
    %mul3A = arith.constant 2 : i32
    %mul3A_0 = arith.muli %arg1, %mul3A : i32
    %add3A = arith.addi %mul3A_0, %arg0 : i32
    %mul3A_1 = arith.constant 16 : i32
    %mul3A_2 = arith.muli %add3A, %mul3A_1 : i32
    "tpu.region"() ({
      %run_scoped3A = tpu.sem_alloc : memref<!tpu.dma_semaphore, #tpu.memory_space<semaphore_mem>>
      %dma_start3A_7 = tpu.memref_slice %arg3[%mul3A_2] : memref<512xi32, #tpu.memory_space<hbm>> -> memref<16xi32, #tpu.memory_space<hbm>>
      %dma_start3A_8 = tpu.memref_slice %arg3[%mul3A_2] : memref<512xi32, #tpu.memory_space<hbm>> -> memref<16xi32, #tpu.memory_space<hbm>>
      tpu.enqueue_dma source(%dma_start3A_8 : memref<16xi32, #tpu.memory_space<hbm>>) target(%arg5 : memref<16xi32, #tpu.memory_space<vmem>>) target_semaphore(%run_scoped3A : memref<!tpu.dma_semaphore, #tpu.memory_space<semaphore_mem>>)
      %dma_wait3A_9 = tpu.memref_slice %arg3[%mul3A_2] : memref<512xi32, #tpu.memory_space<hbm>> -> memref<16xi32, #tpu.memory_space<hbm>>
      %dma_wait3A_10 = tpu.memref_slice %arg3[%mul3A_2] : memref<512xi32, #tpu.memory_space<hbm>> -> memref<16xi32, #tpu.memory_space<hbm>>
      tpu.wait_dma2 semaphore(%run_scoped3A : memref<!tpu.dma_semaphore, #tpu.memory_space<semaphore_mem>>) src(%dma_wait3A_10 : memref<16xi32, #tpu.memory_space<hbm>>) dst(%arg5 : memref<16xi32, #tpu.memory_space<vmem>>)
      tpu.yield
    }) : () -> ()
    %dma_start3A = arith.constant 0 : i32
    %dma_start3A_3 = arith.constant 0 : i32
    %dma_start3A_4 = tpu.memref_slice %arg2[%dma_start3A, %dma_start3A_3] : memref<400000x128xf32, #tpu.memory_space<hbm>> -> memref<400000x128xf32, #tpu.memory_space<hbm>>
    tpu.enqueue_indirect_dma source(%dma_start3A_4 : memref<400000x128xf32, #tpu.memory_space<hbm>>) target(%arg6 : memref<16x128xf32, #tpu.memory_space<vmem>>) offsets(%arg5 : memref<16xi32, #tpu.memory_space<vmem>>) semaphore(%arg7 : memref<!tpu.dma_semaphore, #tpu.memory_space<semaphore_mem>>)
    %dma_wait3A = arith.constant 0 : i32
    %dma_wait3A_5 = arith.constant 0 : i32
    %dma_wait3A_6 = tpu.memref_slice %arg2[%dma_wait3A, %dma_wait3A_5] : memref<400000x128xf32, #tpu.memory_space<hbm>> -> memref<400000x128xf32, #tpu.memory_space<hbm>>
    tpu.wait_indirect_dma semaphore(%arg7 : memref<!tpu.dma_semaphore, #tpu.memory_space<semaphore_mem>>) src(%dma_wait3A_6 : memref<400000x128xf32, #tpu.memory_space<hbm>>) dst(%arg6 : memref<16x128xf32, #tpu.memory_space<vmem>>)
    "tpu.region"() ({
      %run_scoped3A = tpu.sem_alloc : memref<!tpu.dma_semaphore, #tpu.memory_space<semaphore_mem>>
      %dma_start3A_7 = arith.constant 0 : i32
      %dma_start3A_8 = tpu.memref_slice %arg4[%mul3A_2, %dma_start3A_7] : memref<512x128xf32, #tpu.memory_space<hbm>> -> memref<16x128xf32, #tpu.memory_space<hbm>>
      %dma_start3A_9 = arith.constant 0 : i32
      %dma_start3A_10 = tpu.memref_slice %arg4[%mul3A_2, %dma_start3A_9] : memref<512x128xf32, #tpu.memory_space<hbm>> -> memref<16x128xf32, #tpu.memory_space<hbm>>
      tpu.enqueue_dma source(%arg6 : memref<16x128xf32, #tpu.memory_space<vmem>>) target(%dma_start3A_10 : memref<16x128xf32, #tpu.memory_space<hbm>>) target_semaphore(%run_scoped3A : memref<!tpu.dma_semaphore, #tpu.memory_space<semaphore_mem>>)
      %dma_wait3A_11 = arith.constant 0 : i32
      %dma_wait3A_12 = tpu.memref_slice %arg4[%mul3A_2, %dma_wait3A_11] : memref<512x128xf32, #tpu.memory_space<hbm>> -> memref<16x128xf32, #tpu.memory_space<hbm>>
      %dma_wait3A_13 = arith.constant 0 : i32
      %dma_wait3A_14 = tpu.memref_slice %arg4[%mul3A_2, %dma_wait3A_13] : memref<512x128xf32, #tpu.memory_space<hbm>> -> memref<16x128xf32, #tpu.memory_space<hbm>>
      tpu.wait_dma2 semaphore(%run_scoped3A : memref<!tpu.dma_semaphore, #tpu.memory_space<semaphore_mem>>) src(%arg6 : memref<16x128xf32, #tpu.memory_space<vmem>>) dst(%dma_wait3A_14 : memref<16x128xf32, #tpu.memory_space<hbm>>)
      tpu.yield
    }) : () -> ()
    return
  }
}

module attributes {stable_mosaic.version = 14 : i64} {
  func.func @body(%arg0: i32, %arg1: memref<4x5000x128xf32, #tpu.memory_space<vmem>>, %arg2: memref<512x128xf32, #tpu.memory_space<vmem>>, %arg3: memref<1x128xf32, #tpu.memory_space<vmem>>, %arg4: memref<1x128xf32, #tpu.memory_space<vmem>>, %arg5: memref<128x4xf32, #tpu.memory_space<vmem>>, %arg6: memref<1x128xf32, #tpu.memory_space<vmem>>, %arg7: memref<1x128xf32, #tpu.memory_space<vmem>>, %arg8: memref<1x1xf32, #tpu.memory_space<vmem>>, %arg9: memref<4x128xf32, #tpu.memory_space<vmem>>) attributes {dimension_semantics = [#tpu.dimension_semantics<arbitrary>], iteration_bounds = array<i64: 20>, scalar_prefetch = 0 : i64, scratch_operands = 1 : i64, tpu.core_type = #tpu.core_type<tc>, window_params = [{transform_indices = @transform_0, window_bounds = array<i64: 4, 5000, 128>}, {pipeline_mode = #tpu.pipeline_mode<synchronous>, transform_indices = @transform_1, window_bounds = array<i64: 512, 128>}, {pipeline_mode = #tpu.pipeline_mode<synchronous>, transform_indices = @transform_2, window_bounds = array<i64: 1, 128>}, {pipeline_mode = #tpu.pipeline_mode<synchronous>, transform_indices = @transform_3, window_bounds = array<i64: 1, 128>}, {pipeline_mode = #tpu.pipeline_mode<synchronous>, transform_indices = @transform_4, window_bounds = array<i64: 128, 4>}, {pipeline_mode = #tpu.pipeline_mode<synchronous>, transform_indices = @transform_5, window_bounds = array<i64: 1, 128>}, {pipeline_mode = #tpu.pipeline_mode<synchronous>, transform_indices = @transform_6, window_bounds = array<i64: 1, 128>}, {pipeline_mode = #tpu.pipeline_mode<synchronous>, transform_indices = @transform_7, window_bounds = array<i64: 1, 1>}]} {
    %eq3A = arith.constant 0 : i32
    %eq3A_0 = arith.cmpi eq, %arg0, %eq3A : i32
    %convert_element_type3A = arith.extui %eq3A_0 : i1 to i32
    %cond3A = arith.constant 0 : i32
    %cond3A_1 = arith.cmpi ne, %convert_element_type3A, %cond3A : i32
    scf.if %cond3A_1 {
      %broadcast_in_dim3A = arith.constant 0.000000e+00 : f32
      %broadcast_in_dim3A_16 = vector.broadcast %broadcast_in_dim3A : f32 to vector<4x128xf32>
      %swap3A_17 = arith.constant 0 : index
      %swap3A_18 = arith.constant 0 : index
      %swap3A_19 = vector.load %arg9[%swap3A_17, %swap3A_18] : memref<4x128xf32, #tpu.memory_space<vmem>>, vector<4x128xf32>
      tpu.vector_store %arg9[%swap3A_17, %swap3A_18], %broadcast_in_dim3A_16 {strides = array<i32>} : memref<4x128xf32, #tpu.memory_space<vmem>>, vector<4x128xf32>,
    } else {
    }
    %get3A = arith.constant 0 : index
    %get3A_2 = arith.constant 0 : index
    %get3A_3 = vector.load %arg9[%get3A, %get3A_2] : memref<4x128xf32, #tpu.memory_space<vmem>>, vector<4x128xf32>
    %get3A_4 = arith.constant 0 : index
    %get3A_5 = arith.constant 0 : index
    %get3A_6 = arith.constant 0 : index
    %get3A_7 = vector.load %arg1[%get3A_4, %get3A_5, %get3A_6] : memref<4x5000x128xf32, #tpu.memory_space<vmem>>, vector<4x5000x128xf32>
    %reduce_sum3A = arith.constant dense<0.000000e+00> : vector<4x128xf32>
    %reduce_sum3A_8 = vector.multi_reduction <add>, %get3A_7, %reduce_sum3A [1] : vector<4x5000x128xf32> to vector<4x128xf32>
    %add3A = arith.addf %get3A_3, %reduce_sum3A_8 : vector<4x128xf32>
    %swap3A = arith.constant 0 : index
    %swap3A_9 = arith.constant 0 : index
    %swap3A_10 = vector.load %arg9[%swap3A, %swap3A_9] : memref<4x128xf32, #tpu.memory_space<vmem>>, vector<4x128xf32>
    tpu.vector_store %arg9[%swap3A, %swap3A_9], %add3A {strides = array<i32>} : memref<4x128xf32, #tpu.memory_space<vmem>>, vector<4x128xf32>,
    %eq3A_11 = arith.constant 19 : i32
    %eq3A_12 = arith.cmpi eq, %arg0, %eq3A_11 : i32
    %convert_element_type3A_13 = arith.extui %eq3A_12 : i1 to i32
    %cond3A_14 = arith.constant 0 : i32
    %cond3A_15 = arith.cmpi ne, %convert_element_type3A_13, %cond3A_14 : i32
    scf.if %cond3A_15 {
      %get3A_16 = arith.constant 0 : index
      %get3A_17 = arith.constant 0 : index
      %get3A_18 = vector.load %arg2[%get3A_16, %get3A_17] : memref<512x128xf32, #tpu.memory_space<vmem>>, vector<512x128xf32>
      %reshape3A = vector.shape_cast %get3A_18 : vector<512x128xf32> to vector<4x128x128xf32>
      %iota3A = tpu.iota {dimensions = array<i32: 2>} : vector<4x128x128xi32>
      %iota3A_19 = tpu.iota {dimensions = array<i32: 1>} : vector<4x128x128xi32>
      %eq3A_20 = arith.cmpi eq, %iota3A, %iota3A_19 : vector<4x128x128xi32>
      %jit3A = arith.constant 0.000000e+00 : f32
      %broadcast_in_dim3A = vector.broadcast %jit3A : f32 to vector<4x128x128xf32>
      %select_n3A = arith.select %eq3A_20, %reshape3A, %broadcast_in_dim3A : vector<4x128x128xi1>, vector<4x128x128xf32>
      %reduce_sum3A_21 = arith.constant dense<0.000000e+00> : vector<4x128xf32>
      %reduce_sum3A_22 = vector.multi_reduction <add>, %select_n3A, %reduce_sum3A_21 [2] : vector<4x128x128xf32> to vector<4x128xf32>
      %get3A_23 = arith.constant 0 : index
      %get3A_24 = arith.constant 0 : index
      %get3A_25 = vector.load %arg9[%get3A_23, %get3A_24] : memref<4x128xf32, #tpu.memory_space<vmem>>, vector<4x128xf32>
      %div3A = arith.divf %reduce_sum3A_22, %get3A_25 : vector<4x128xf32>
      %transpose3A = tpu.transpose %div3A, [1, 0] : vector<4x128xf32> -> vector<128x4xf32>
      %swap3A_26 = arith.constant 0 : index
      %swap3A_27 = arith.constant 0 : index
      %swap3A_28 = vector.load %arg5[%swap3A_26, %swap3A_27] : memref<128x4xf32, #tpu.memory_space<vmem>>, vector<128x4xf32>
      tpu.vector_store %arg5[%swap3A_26, %swap3A_27], %transpose3A {strides = array<i32>} : memref<128x4xf32, #tpu.memory_space<vmem>>, vector<128x4xf32>,
      %slice3A = vector.extract_strided_slice %div3A {offsets = [3, 0], sizes = [1, 128], strides = [1, 1]} : vector<4x128xf32> to vector<1x128xf32>
      %swap3A_29 = arith.constant 0 : index
      %swap3A_30 = arith.constant 0 : index
      %swap3A_31 = vector.load %arg6[%swap3A_29, %swap3A_30] : memref<1x128xf32, #tpu.memory_space<vmem>>, vector<1x128xf32>
      tpu.vector_store %arg6[%swap3A_29, %swap3A_30], %slice3A {strides = array<i32>} : memref<1x128xf32, #tpu.memory_space<vmem>>, vector<1x128xf32>,
      %log3A = math.log %div3A : vector<4x128xf32>
      %reduce_sum3A_32 = arith.constant dense<0.000000e+00> : vector<128xf32>
      %reduce_sum3A_33 = vector.multi_reduction <add>, %log3A, %reduce_sum3A_32 [0] : vector<4x128xf32> to vector<128xf32>
      %broadcast_in_dim3A_34 = vector.shape_cast %reduce_sum3A_33 : vector<128xf32> to vector<1x128xf32>
      %swap3A_35 = arith.constant 0 : index
      %swap3A_36 = arith.constant 0 : index
      %swap3A_37 = vector.load %arg7[%swap3A_35, %swap3A_36] : memref<1x128xf32, #tpu.memory_space<vmem>>, vector<1x128xf32>
      tpu.vector_store %arg7[%swap3A_35, %swap3A_36], %broadcast_in_dim3A_34 {strides = array<i32>} : memref<1x128xf32, #tpu.memory_space<vmem>>, vector<1x128xf32>,
      %get3A_38 = arith.constant 0 : index
      %get3A_39 = arith.constant 0 : index
      %get3A_40 = vector.load %arg4[%get3A_38, %get3A_39] : memref<1x128xf32, #tpu.memory_space<vmem>>, vector<1x128xf32>
      %sub3A = arith.constant 1.000000e+00 : f32
      %sub3A_41 = vector.broadcast %sub3A : f32 to vector<1x128xf32>
      %sub3A_42 = arith.subf %sub3A_41, %get3A_40 : vector<1x128xf32>
      %log3A_43 = arith.constant 9.99999993E-9 : f32
      %log3A_44 = math.log %log3A_43 : f32
      %mul3A = vector.broadcast %log3A_44 : f32 to vector<1x128xf32>
      %mul3A_45 = arith.mulf %sub3A_42, %mul3A : vector<1x128xf32>
      %get3A_46 = arith.constant 0 : index
      %get3A_47 = arith.constant 0 : index
      %get3A_48 = vector.load %arg3[%get3A_46, %get3A_47] : memref<1x128xf32, #tpu.memory_space<vmem>>, vector<1x128xf32>
      %add3A_49 = arith.addf %mul3A_45, %get3A_48 : vector<1x128xf32>
      %sub3A_50 = arith.subf %broadcast_in_dim3A_34, %add3A_49 : vector<1x128xf32>
      %mul3A_51 = arith.mulf %sub3A_50, %sub3A_50 : vector<1x128xf32>
      %reduce_sum3A_52 = vector.shape_cast %mul3A_51 : vector<1x128xf32> to vector<1x1x128xf32>
      %reduce_sum3A_53 = arith.constant dense<0.000000e+00> : vector<1xf32>
      %reduce_sum3A_54 = vector.multi_reduction <add>, %reduce_sum3A_52, %reduce_sum3A_53 [1, 2] : vector<1x1x128xf32> to vector<1xf32>
      %reduce_sum3A_55 = vector.shape_cast %reduce_sum3A_54 : vector<1xf32> to vector<1x1x1xf32>
      %reduce_sum3A_56 = vector.extract %reduce_sum3A_55[0, 0, 0] : f32 from vector<1x1x1xf32>
      %div3A_57 = arith.constant 1.280000e+02 : f32
      %div3A_58 = arith.divf %reduce_sum3A_56, %div3A_57 : f32
      %reshape3A_59 = vector.broadcast %div3A_58 : f32 to vector<1x1xf32>
      %swap3A_60 = arith.constant 0 : index
      %swap3A_61 = arith.constant 0 : index
      %swap3A_62 = vector.load %arg8[%swap3A_60, %swap3A_61] : memref<1x1xf32, #tpu.memory_space<vmem>>, vector<1x1xf32>
      tpu.vector_store %arg8[%swap3A_60, %swap3A_61], %reshape3A_59 {strides = array<i32>} : memref<1x1xf32, #tpu.memory_space<vmem>>, vector<1x1xf32>,
    } else {
    }
    return
  }
  func.func @transform_0(%arg0: i32) -> (i32, i32, i32) {
    %c0_i32 = arith.constant 0 : i32
    %c0_i32_0 = arith.constant 0 : i32
    %c0_i32_1 = arith.constant 0 : i32
    return %c0_i32, %arg0, %c0_i32_0 : i32, i32, i32
  }
  func.func @transform_1(%arg0: i32) -> (i32, i32) {
    %c0_i32 = arith.constant 0 : i32
    %c0_i32_0 = arith.constant 0 : i32
    %c0_i32_1 = arith.constant 0 : i32
    return %c0_i32, %c0_i32_0 : i32, i32
  }
  func.func @transform_2(%arg0: i32) -> (i32, i32) {
    %c0_i32 = arith.constant 0 : i32
    %c0_i32_0 = arith.constant 0 : i32
    %c0_i32_1 = arith.constant 0 : i32
    return %c0_i32, %c0_i32_0 : i32, i32
  }
  func.func @transform_3(%arg0: i32) -> (i32, i32) {
    %c0_i32 = arith.constant 0 : i32
    %c0_i32_0 = arith.constant 0 : i32
    %c0_i32_1 = arith.constant 0 : i32
    return %c0_i32, %c0_i32_0 : i32, i32
  }
  func.func @transform_4(%arg0: i32) -> (i32, i32) {
    %c0_i32 = arith.constant 0 : i32
    %c0_i32_0 = arith.constant 0 : i32
    %c0_i32_1 = arith.constant 0 : i32
    return %c0_i32, %c0_i32_0 : i32, i32
  }
  func.func @transform_5(%arg0: i32) -> (i32, i32) {
    %c0_i32 = arith.constant 0 : i32
    %c0_i32_0 = arith.constant 0 : i32
    %c0_i32_1 = arith.constant 0 : i32
    return %c0_i32, %c0_i32_0 : i32, i32
  }
  func.func @transform_6(%arg0: i32) -> (i32, i32) {
    %c0_i32 = arith.constant 0 : i32
    %c0_i32_0 = arith.constant 0 : i32
    %c0_i32_1 = arith.constant 0 : i32
    return %c0_i32, %c0_i32_0 : i32, i32
  }
  func.func @transform_7(%arg0: i32) -> (i32, i32) {
    %c0_i32 = arith.constant 0 : i32
    %c0_i32_0 = arith.constant 0 : i32
    %c0_i32_1 = arith.constant 0 : i32
    return %c0_i32, %c0_i32_0 : i32, i32
  }
}

</mosaic_0001>

<sc_bundles>
// kernel: kernel.4.cloned.1.call-start
scs
__scs_entry_jumppad:
0x0: {  	(pc) =	sbr.rel $0x88, $3  }
0x1: {  	(tag) =	ssettag $0x0;
	lr =	simm.s32 $0x1  }
0x2: {  	[smem:$0x3F9D] =	sst lr;
	_ =	strace $0xD0000000  }
0x3: {  	_ = 	snop  }
0x4: {  	_ = 	snop  }
0x5: {  	_ = 	snop  }
0x6: {  	_ = 	snop  }
0x7: {  	_ = 	snop  }
__scs_overlays_trampoline_lowered:
0x8: {  	[smem:$0x3FAC] =	sst s0  }
0x9: {  	[smem:$0x3FAD] =	sst s1  }
0xa: {  	[smem:$0x3FAE] =	sst s2  }
0xb: {  	[smem:$0x3FAF] =	sst s3  }
0xc: {  	[smem:$0x3FB0] =	sst s4  }
0xd: {  	[smem:$0x3FB1] =	sst s5  }
0xe: {  	[smem:$0x3FB2] =	sst s6  }
0xf: {  	[smem:$0x3FB3] =	sst s7  }
0x10: {  	[smem:$0x3FB4] =	sst s8  }
0x11: {  	[smem:$0x3FB5] =	sst s9;
	s0 =	simm.s32 @!p0 $0x0  }
0x12: {  	s1 =	sld [smem:$0x3F9B];
	s0 =	simm.s32 @p0 $0x1  }
0x13: {  	[smem:$0x3FB6] =	sst s0;
	s0 =	simm.s32 @!p1 $0x0  }
0x14: {  	s2 =	sld [smem:$0x3F9A];
	s0 =	simm.s32 @p1 $0x1  }
0x15: {  	[smem:$0x3FB7] =	sst s0;
	s0 =	simm.s32 @!p2 $0x0  }
0x16: {  	s3 =	sld [smem:$0x3FDB];
	s0 =	simm.s32 @p2 $0x1  }
0x17: {  	s4 =	simm.s32 $0x1BF5;
	[smem:$0x3FB9] =	sst s0  }
0x18: {  	s0 =	sld [smem:$0x3F9C];
	_ =	swait.ge [sflag:s4], $0x0  }
0x19: {  	s7 =	sld [smem:$0x3F9D]  }
0x1a: {  	s8 =	sadd.s32 $0xFFFFE003, lr  }
0x1b: {  	s9 =	sadd.s32 $0xFFFFFEF7, lr;
	s5 =	simm.s32 $0xFFFFFFFF;
	p2 =	slt.u32 s8, $0xFFFFF086  }
0x1c: {  	p1 =	slt.u32 s9, $0xF7A;
	s5 =	simm.s32 @!p2 $0x0  }
0x1d: {  	s5 =	simm.s32 @p1 $0x1;
	p0 =	seq.s32 s7, s2  }
0x1e: {  	s7 =	smul.u32 @!p0 $0xF7A, s2;
	p2 =	seq.s32 @!p0 s5, $0x0  }
0x1f: {  	s9 =	smul.u32 $0xF7A, s1;
	s8 =	simm.s32 @!p0 $0x1BF5;
	p2 =	por !p2, p0  }
0x20: {  	[sflag:s8] =	ssyncset.s32 @!p0 $0xFFFFF086;
	s6 =	sadd.s32 @!p0 s3, s7;
	s7 =	simm.s32 @!p0 $0x108  }
0x21: {  	s3 =	sadd.s32 s3, s9;
	s6 =	sadd.s32 @!p0 $0x88, s6;
	s7 =	simm.s32 @p2 $0x1082  }
0x22: {  	[simem:s7], [sflag:s8] =	dma.local @!p0 [hbm:s6], $0xF7A  }
0x23: {  	s9 =	sor.u32 $0xD0000000, s2;
	s6 =	simm.s32 $0x108;
	_ =	swait.ge @!p0 [sflag:s8], $0x0  }
0x24: {  	s3 =	sadd.s32 $0x88, s3;
	s6 =	simm.s32 @!p1 $0x1082;
	[sflag:s4] =	ssyncset.s32 $0xFFFFF086  }
0x25: {  	[simem:s6], [sflag:s4] =	dma.local [hbm:s3], $0xF7A  }
0x26: {  	[smem:$0x3F9D] =	sst s1;
	(tag) =	ssettag s2;
	_ =	strace s9  }
0x27: {  	s1 =	sld [smem:$0x3FAD]  }
0x28: {  	s2 =	sld [smem:$0x3FAE]  }
0x29: {  	s4 =	sld [smem:$0x3FB0]  }
0x2a: {  	p0 =	seq.s32 s5, $0x0;
	s5 =	sld [smem:$0x3FB1]  }
0x2b: {  	s6 =	sld [smem:$0x3FB2]  }
0x2c: {  	s7 =	sld [smem:$0x3FB3]  }
0x2d: {  	s3 =	simm.s32 $0x108;
	s8 =	sld [smem:$0x3FB4]  }
0x2e: {  	s3 =	simm.s32 @!p0 $0x1082;
	s9 =	sld [smem:$0x3FB5]  }
0x2f: {  	lr =	sadd.s32 s0, s3;
	s0 =	sld [smem:$0x3FAC]  }
0x30: {  	s3 =	sld [smem:$0x3FAF]  }
0x31: {  	[smem:$0x3FB8] =	sst s10  }
0x32: {  	s10 =	sld [smem:$0x3FB6];
	_ =	sdelay $0x3  }
0x33: {  	p0 =	seq.s32 s10, $0x1;
	s10 =	sld [smem:$0x3FB8];
	_ =	sdelay $0x3  }
0x34: {  	[smem:$0x3FB8] =	sst s10  }
0x35: {  	s10 =	sld [smem:$0x3FB7];
	_ =	sdelay $0x3  }
0x36: {  	p1 =	seq.s32 s10, $0x1;
	s10 =	sld [smem:$0x3FB8];
	_ =	sdelay $0x3  }
0x37: {  	[smem:$0x3FB8] =	sst s10  }
0x38: {  	s10 =	sld [smem:$0x3FB9]  }
0x39: {  	_ = 	snop;
	(pc) =	sbr.ind lr, $3  }
0x3a: {  	_ = 	snop  }
0x3b: {  	_ = 	snop  }
0x3c: {  	p2 =	seq.s32 s10, $0x1;
	s10 =	sld [smem:$0x3FB8]  }
0x3d: {  	_ =	shalt  }
0x3e: {  	_ =	shalt  }
0x3f: {  	_ =	shalt  }
0x40: {  	_ =	shalt  }
0x41: {  	_ =	shalt  }
0x42: {  	_ =	shalt  }
0x43: {  	_ =	shalt  }
0x44: {  	_ =	shalt  }
0x45: {  	_ =	shalt  }
0x46: {  	_ =	shalt  }
0x47: {  	_ =	shalt  }
0x48: {  	_ =	shalt  }
0x49: {  	_ =	shalt  }
0x4a: {  	_ =	shalt  }
0x4b: {  	_ =	shalt  }
0x4c: {  	_ =	shalt  }
0x4d: {  	_ =	shalt  }
0x4e: {  	_ =	shalt  }
0x4f: {  	_ =	shalt  }
0x50: {  	_ =	shalt  }
0x51: {  	_ =	shalt  }
0x52: {  	_ =	shalt  }
0x53: {  	_ =	shalt  }
0x54: {  	_ =	shalt  }
0x55: {  	_ =	shalt  }
0x56: {  	_ =	shalt  }
0x57: {  	_ =	shalt  }
0x58: {  	_ =	shalt  }
0x59: {  	_ =	shalt  }
0x5a: {  	_ =	shalt  }
0x5b: {  	_ =	shalt  }
0x5c: {  	_ =	shalt  }
0x5d: {  	_ =	shalt  }
0x5e: {  	_ =	shalt  }
0x5f: {  	_ =	shalt  }
0x60: {  	_ =	shalt  }
0x61: {  	_ =	shalt  }
0x62: {  	_ =	shalt  }
0x63: {  	_ =	shalt  }
0x64: {  	_ =	shalt  }
0x65: {  	_ =	shalt  }
0x66: {  	_ =	shalt  }
0x67: {  	_ =	shalt  }
0x68: {  	_ =	shalt  }
0x69: {  	_ =	shalt  }
0x6a: {  	_ =	shalt  }
0x6b: {  	_ =	shalt  }
0x6c: {  	_ =	shalt  }
0x6d: {  	_ =	shalt  }
0x6e: {  	_ =	shalt  }
0x6f: {  	_ =	shalt  }
0x70: {  	_ =	shalt  }
0x71: {  	_ =	shalt  }
0x72: {  	_ =	shalt  }
0x73: {  	_ =	shalt  }
0x74: {  	_ =	shalt  }
0x75: {  	_ =	shalt  }
0x76: {  	_ =	shalt  }
0x77: {  	_ =	shalt  }
0x78: {  	_ =	shalt  }
0x79: {  	_ =	shalt  }
0x7a: {  	_ =	shalt  }
0x7b: {  	_ =	shalt  }
0x7c: {  	_ =	shalt  }
0x7d: {  	_ =	shalt  }
0x7e: {  	_ =	shalt  }
0x7f: {  	_ =	shalt  }
0x80: {  	_ =	shalt  }
0x81: {  	_ =	shalt  }
0x82: {  	_ =	shalt  }
0x83: {  	_ =	shalt  }
0x84: {  	_ =	shalt  }
0x85: {  	_ =	shalt  }
0x86: {  	_ =	shalt  }
0x87: {  	_ =	shalt  }
.Lfunc_end0:
.L_simem_size_0:
called_computation_lowered:
.L_overlay_start_0:
0x88: {  	s2 =	sld [smem:$0x3FD9]  }
0x89: {  	s3 =	sld [smem:$0x3FFE];
	_ =	sdelay $0x1  }
0x8a: {  	s1 =	srdreg.scid  }
0x8b: {  	s0 =	sand.u32 $0x1, s1  }
0x8c: {  	s14 =	sshll.u32 s0, $0xA;
	s2 =	sadd.s32 s3, s2  }
0x8d: {  	s2 =	sadd.s32 s2, s14  }
0x8e: {  	[smem:$0x3FC4] =	sst s2  }
0x8f: {  	_ = 	snop  }
0x90: {  	s2 =	sld [smem:$0x3FD0];
	_ =	sdelay $0x2  }
0x91: {  	s4 =	simm.s32 $0xA;
	s5 =	simm.s32 $0x10;
	s15 =	sld [smem:$0x3FC9]  }
0x92: {  	[smem:s5], [sflag:s4] =	dma.local [hbm:s2], $0x1  }
0x93: {  	_ =	swait.eq [sflag:s4], $0x1  }
0x94: {  	[sflag:s4] =	ssyncset.done $0x0  }
0x95: {  	[sflag:s4] =	ssyncadd.s32 $0xFFFFFFFF  }
0x96: {  	s16 =	sld [smem:$0x10];
	(tm) =	ssettm $0x1  }
0x97: {  	s17 =	sld [smem:$0x3FFB];
	_ =	sdelay $0x3  }
0x98: {  	_ =	strace s17  }
0x99: {  	s4 =	sld [smem:$0x3FFC];
	_ =	sdelay $0x3  }
0x9a: {  	_ =	strace s4  }
0x9b: {  	s4 =	sld [smem:$0x3FFD];
	_ =	sdelay $0x3  }
0x9c: {  	_ =	strace s4  }
0x9d: {  	_ =	strace $0x8FFFFFFF  }
0x9e: {  	s18 =	sld [smem:$0x3FDB];
	_ =	sdelay $0x1  }
0x9f: {  	s19 =	simm.s32 $_scs_section_size  }
0xa0: {  	s6 =	simm.s32 $_size__tile_overlayer_lowered;
	s7 =	simm.s32 $_tile_overlayer_lowered  }
0xa1: {  	s22 =	simm.s32 $0x1BFF;
	s21 =	sshll.u32 s7, $0x1;
	s4 =	sadd.s32 s19, s18  }
0xa2: {  	s8 =	simm.s32 $0x0;
	s20 =	sshll.u32 s6, $0x1;
	s6 =	sadd.s32 s21, s4  }
0xa3: {  	[timem:s8], [sflag:s22] =	dma.local [hbm:s6], s20  }
0xa4: {  	_ =	swait.ge [sflag:s22], s20  }
0xa5: {  	s5 =	ssub.s32 $0x0, s20;
	[sflag:s22] =	ssyncset.done $0x0  }
0xa6: {  	[sflag:s22] =	ssyncadd.s32 s5;
	_ =	sdelay $0x1  }
0xa7: {  	s23 =	simm.s32 $0x1B8B  }
0xa8: {  	_ =	swait.ge [sflag:s23], $0x1  }
0xa9: {  	[sflag:s23] =	ssyncset.done $0x0  }
0xaa: {  	s25 =	simm.s32 $0x1B8E;
	s24 =	sld [smem:$0x3FFE];
	[sflag:s23] =	ssyncadd.s32 $0xFFFFFFFF  }
0xab: {  	s26 =	simm.s32 $execute0_lowered;
	[smem:$0x3FD2] =	sst s25  }
0xac: {  	s6 =	sshll.u32 s26, $0x1;
	_ =	strace $0x80000046;
	[dreg:$0x1] =	wrdreg $0xFFFFFFFF  }
0xad: {  	s28 =	simm.s32 $_size_execute0_lowered;
	s4 =	sadd.s32 s4, s6;
	[dreg:$0x0] =	wrdreg $0x0  }
0xae: {  	s6 =	sshll.u32 s28, $0x1;
	[dreg:$0x2] =	wrdreg s4  }
0xaf: {  	[dreg:$0x3] =	wrdreg s6  }
0xb0: {  	[dreg:$0x4] =	wrdreg $0xC0  }
0xb1: {  	_ =	task [dreg:s8], $0x5FFFF  }
0xb2: {  	[dreg:$0x1] =	wrdreg $0xFFFFFFFF  }
0xb3: {  	[dreg:$0x0] =	wrdreg $0x60  }
0xb4: {  	[dreg:$0x2] =	wrdreg s15  }
0xb5: {  	[dreg:$0x3] =	wrdreg s16  }
0xb6: {  	[dreg:$0x4] =	wrdreg s24  }
0xb7: {  	[dreg:$0x5] =	wrdreg $0x9  }
0xb8: {  	_ =	task.clear_ibuf [dreg:s8], $0x6FFFF;
	_ =	strace $0x90000046  }
0xb9: {  	s29 =	simm.s32 $0x9;
	_ =	strace $0x80000048  }
0xba: {  	_ =	swait.ge [sflag:s29], $0x1  }
0xbb: {  	[sflag:s29] =	ssyncadd.s32 $0xFFFFFFFF  }
0xbc: {  	_ =	strace $0x90000048  }
0xbd: {  	_ =	sfence  }
0xbe: {  	s30 =	sld [smem:$0x0];
	_ =	sdelay $0x2  }
0xbf: {  	s31 =	sshll.u32 s1, $0xD;
	s1 =	sshrl.u32 s1, $0x2  }
0xc0: {  	s3 =	sand.u32 $0x4000, s31;
	s1 =	sadd.s32 s1, s30  }
0xc1: {  	s0 =	sor.u32 s3, s0;
	s1 =	sshll.u32 s1, $0x11  }
0xc2: {  	s0 =	sor.u32 s1, s0  }
0xc3: {  	s0 =	sadd.s32 $0x8F2B, s0  }
0xc4: {  	[sflag:s0] =	ssyncadd.remote.s32 $0x1  }
0xc5: {  	_ =	sfence.sel $0xFFFF  }
0xc6: {  	[dreg:$0x0] =	wrdreg $0xFFFFFFFF;
	(pc) =	sbr.abs _section_cstart, $3  }
0xc7: {  	[dreg:$0x1] =	wrdreg $0xFFFFFFFF  }
0xc8: {  	_ =	task.clear_ibuf [dreg:s8], $0x2FFFF;
	_ =	strace $0x9FFFFFFF  }
0xc9: {  	(tm) =	ssettm $0x7FFFFFFF  }
tec
execute0_lowered:
.L_overlay_start_1:
0x0: {  	(tag) =	ssettag $0x1  }
0x1: {  	s1 =	rddreg [dreg:$0x0];
	s2 =	srdreg.scid  }
0x2: {  	s4 =	rddreg [dreg:$0x1];
	s0 =	stileid.u32  }
0x3: {  	s9 =	rddreg [dreg:$0x2];
	s3 =	simm.s32 $0x0;
	s6 =	sand.u32 $0x1, s2  }
0x4: {  	s5 =	sshll.u32 s0, $0x5;
	s2 =	rddreg [dreg:$0x3];
	s7 =	sshll.u32 s6, $0x4  }
0x5: {  	s8 =	simm.s32 $0x1;
	[smem:$0x7FF] =	sst s3;
	s10 =	sor.u32 s7, s5  }
0x6: {  	_ =	strace $0x80000047;
	s11 =	ssub.s32 $0x2, s6;
	s5 =	sshrl.u32 s10, $0x3  }
0x7: {  	s6 =	simm.s32 $0x10;
	s5 =	sadd.s32 s4, s5;
	s4 =	simm.s32 $0x2  }
0x8: {  	[tilespmem:s3], [sflag:$0x2] =	stream.linear.gather [hbm4b:s5+s3], $0x10, $0x38;
	[tilespmem:$0x880] =	vst v63  }
0x9: {  	s7 =	simm.s32 $0x80;
	s12 =	sshrl.u32 s11, $0x1;
	_ =	swait.ge [sflag:s4], $0x10  }
0xa: {  	s10 =	sshll.u32 s10, $0x4;
	s31 =	ssub.s32 s11, s12;
	[sflag:s4] =	ssyncset.done $0x0  }
0xb: {  	s9 =	sadd.s32 s10, s9;
	s10 =	smax.u32 s31, $0x1;
	[sflag:s4] =	ssyncadd.s32 $0xFFFFFFF0  }
0xc: {  	[tilespmem:s7], [sflag:$0x1] =	stream.indirect.gather [hbm4b:s1+s6], $0x80, s3, s6, $0xb8;
	[tilespmem:$0x880] =	vst v63  }
0xd: {  	p0 =	sne.s32 s10, $0x1;
	_ =	swait.ge [sflag:s8], $0x800  }
.Ltmp0:
0xe: {  	[sflag:s8] =	ssyncset.done $0x0;
	(pc) =	sbr.rel @!p0 .LBB2_2-.Ltmp0, $4  }
0xf: {  	s9 =	sadd.s32 $0xC00, s9;
	[sflag:s8] =	ssyncadd.s32 $0xFFFFF800  }
0x10: {  	[hbm4b:s9+s3] =	stream.linear.scatter [tilespmem:s7], [sflag:$0x2], $0x800, $0x38;
	[tilespmem:$0x880] =	vst v63  }
0x11: {  	_ =	swait.ge [sflag:s4], $0x800  }
0x12: {  	s10 =	sadd.s32 $0xFFFFFFFF, s10;
	[sflag:s4] =	ssyncset.done $0x0  }
.LBB2_1:
0x13: {  	p0 =	sne.s32 s10, $0x1;
	s10 =	sadd.s32 $0xFFFFFFFF, s10;
	[sflag:s4] =	ssyncadd.s32 $0xFFFFF800  }
0x14: {  	[tilespmem:s3], [sflag:$0x2] =	stream.linear.gather [hbm4b:s5+s3], $0x10, $0x38;
	[tilespmem:$0x880] =	vst v63  }
0x15: {  	_ =	swait.ge [sflag:s4], $0x10  }
0x16: {  	[sflag:s4] =	ssyncset.done $0x0  }
0x17: {  	[sflag:s4] =	ssyncadd.s32 $0xFFFFFFF0  }
0x18: {  	[tilespmem:s7], [sflag:$0x1] =	stream.indirect.gather [hbm4b:s1+s6], $0x80, s3, s6, $0xb8;
	[tilespmem:$0x880] =	vst v63  }
0x19: {  	_ =	swait.ge [sflag:s8], $0x800  }
.Ltmp1:
0x1a: {  	[sflag:s8] =	ssyncset.done $0x0;
	(pc) =	sbr.rel @p0 .LBB2_1-.Ltmp1, $4  }
0x1b: {  	[sflag:s8] =	ssyncadd.s32 $0xFFFFF800  }
0x1c: {  	[hbm4b:s9+s3] =	stream.linear.scatter [tilespmem:s7], [sflag:$0x2], $0x800, $0x38;
	[tilespmem:$0x880] =	vst v63  }
0x1d: {  	_ =	swait.ge [sflag:s4], $0x800  }
0x1e: {  	[sflag:s4] =	ssyncset.done $0x0  }
.LBB2_2:
0x1f: {  	[sflag:s4] =	ssyncadd.s32 $0xFFFFF800  }
0x20: {  	_ =	sfence.sel $0x180000  }
0x21: {  	[bflag:$0x0] =	sbarrier.arrive $0xFFFF  }
0x22: {  	p0 =	sne.s32 s0, $0x0;
	_ =	strace $0x90000047  }
0x23: {  	s0 =	sadd.s32 @!p0 $0x100000, s2;
	[bflag:$0x2] =	sbarrier.arrive $0xFFFF  }
0x24: {  	[sflag:s0] =	ssyncadd.tile.s32 @!p0 $0x1;
	_ =	shalt  }
.Lfunc_end2:
_tile_overlayer_lowered:
.L_overlay_start_2:
0x25: {  	(tag) =	ssettag $0x2  }
0x26: {  	s0 =	rddreg [dreg:$0x0];
	s2 =	stileid.u32  }
0x27: {  	s1 =	rddreg [dreg:$0x1];
	p0 =	sne.s32 s2, $0x0  }
0x28: {  	s3 =	rddreg [dreg:$0x2];
	[bflag:$0x3] =	sbarrier.arrive $0xFFFF;
	s2 =	simm.s32 @!p0 $0x1C02  }
0x29: {  	[timem:s3], [sflag:s2] =	dma.local @!p0 [hbm:s0], s1  }
0x2a: {  	s0 =	simm.s32 @!p0 $0x2  }
0x2b: {  	_ =	swait.ge @!p0 [sflag:s0], s1  }
0x2c: {  	s1 =	ssub.s32 @!p0 $0x0, s1;
	[sflag:s0] =	ssyncset.done @!p0 $0x0  }
0x2d: {  	[sflag:s0] =	ssyncadd.s32 @!p0 s1  }
0x2e: {  	[bflag:$0x3] =	sbarrier.arrive $0xFFFF  }
0x2f: {  	_ =	shalt  }

</sc_bundles>
